<compile_context>
chip_gen: v7x
topology: tpu7x:2x2x1
jax: 0.10.2.dev20260603
libtpu: 0.0.44.dev20260713+nightly
codegen_flags: <defaults>
</compile_context>

<pallas_src>
import functools

import numpy as np
import jax
import jax.numpy as jnp
from jax.experimental import pallas as pl

_D = 32
_ND = 16
_C = 3
_BLK = _D * _D
_OBLK = _ND * _ND
_PAR = ((0, 0), (1, 0), (0, 1), (1, 1))


@functools.cache
def _colsel_np():
    r = np.arange(_BLK)[:, None]
    q = np.arange(_OBLK)[None, :]
    mats = []
    for pl_, pm_ in _PAR:
        cond = ((r // _D) == 2 * (q // _ND) + pl_) & \
               ((r % _D) == 2 * (q % _ND) + pm_)
        mats.append(cond.astype(np.float32))
    return np.stack(mats)


def _body(x_ref, s_ref, o_ref):
    g = []
    for p, (pi, pj) in enumerate(_PAR):
        xj = x_ref[0, pj::2, :, :]
        rows = xj.reshape(_ND, 2, _ND, 8, 128)[:, pi]
        rows = rows.reshape(_OBLK, 8, 128).swapaxes(0, 1)
        gp = jax.lax.dot_general(
            rows, s_ref[p],
            dimension_numbers=(((2,), (1,)), ((0,), (0,))),
            preferred_element_type=jnp.float32,
        )
        g.append(jnp.sum(gp, axis=0))
    r = jax.lax.broadcasted_iota(jnp.int32, (_OBLK, _OBLK), 0)
    q = jax.lax.broadcasted_iota(jnp.int32, (_OBLK, _OBLK), 1)
    m_il = (r // _ND) == (q // _ND)
    m_jm = (r % _ND) == (q % _ND)
    zero = jnp.float32(0)
    out = g[0] + jnp.where(m_il, g[1], zero) + jnp.where(m_jm, g[2], zero)
    out = out + jnp.where(m_il & m_jm, g[3], zero)
    o_ref[0] = out


def kernel(rho):
    bsz = rho.shape[0]
    n = _C * _BLK
    xr = rho.reshape(bsz, n, n // 128, 128)
    csel = jnp.asarray(_colsel_np().reshape(4, 8, 128, _OBLK))
    return pl.pallas_call(
        _body,
        grid=(bsz, _C, _C),
        in_specs=[
            pl.BlockSpec((1, _BLK, 8, 128), lambda b, f, h: (b, f, h, 0)),
            pl.BlockSpec((4, 8, 128, _OBLK), lambda b, f, h: (0, 0, 0, 0)),
        ],
        out_specs=pl.BlockSpec((1, _OBLK, _OBLK), lambda b, f, h: (b, f, h)),
        out_shape=jax.ShapeDtypeStruct((bsz, _C * _OBLK, _C * _OBLK),
                                       rho.dtype),
    )(xr, csel)

# --- scband reference (transcript-rebuilt; emitter-appended) ---
"""Pipeline reference for scband-qpooling-24111946399870 (READ-ONLY COPY).

The authoritative reference and input builder live on the scoring server;
editing this copy changes nothing except your own understanding.
"""

import jax, jax.numpy as jnp
import numpy as np

_D = 32
_K = 2
_C = 3

def _build_indices(d=_D, k=_K, c=_C):
    n = c * d * d
    x = np.arange(n, dtype=np.int32)
    y = np.arange(n, dtype=np.int32)
    f = x // (d * d)
    h = y // (d * d)
    i = (x % (d * d)) // d
    j = (x % (d * d)) % d
    l = (y % (d * d)) // d
    m = (y % (d * d)) % d
    f_g, h_g = np.meshgrid(f, h, indexing='ij')
    i_g, l_g = np.meshgrid(i, l, indexing='ij')
    j_g, m_g = np.meshgrid(j, m, indexing='ij')
    inject = (i_g % k == l_g % k) & (j_g % k == m_g % k)
    mo1 = ((i_g % k != 0) & (i_g == l_g)) | (i_g % k == 0)
    mo2 = ((j_g % k != 0) & (j_g == m_g)) | (j_g % k == 0)
    mask = inject & mo1 & mo2
    rows, cols = np.nonzero(mask)
    new_d = d // k
    new_i = i_g[mask] // k
    new_j = j_g[mask] // k
    new_l = l_g[mask] // k
    new_m = m_g[mask] // k
    new_x = new_i * new_d + new_j + f_g[mask] * new_d ** 2
    new_y = new_l * new_d + new_m + h_g[mask] * new_d ** 2
    return (rows.astype(np.int32), cols.astype(np.int32),
            new_x.astype(np.int32), new_y.astype(np.int32), new_d)

_ROWS_NP, _COLS_NP, _NX_NP, _NY_NP, _ND = _build_indices()
_ROWS = jnp.asarray(_ROWS_NP)
_COLS = jnp.asarray(_COLS_NP)
_NX = jnp.asarray(_NX_NP)
_NY = jnp.asarray(_NY_NP)
_NN = _C * _ND ** 2


def setup_inputs(seed: int = 0) -> dict:
    key = jax.random.key(seed)
    b = 8
    n = _C * _D * _D
    rho = jax.random.normal(key, (b, n, n), dtype=jnp.float32)
    return {"rho": rho}


def reference(rho):
    b = rho.shape[0]
    # gather the masked density-matrix entries: [b, N]
    vals = rho[:, _ROWS, _COLS]
    # scatter-add into the pooled density matrix (accumulate=True semantics)
    new_rho = jnp.zeros((b, _NN, _NN), dtype=rho.dtype)
    new_rho = new_rho.at[:, _NX, _NY].add(vals)
    return new_rho

if __name__ == "__main__":
    import jax
    _d = setup_inputs()
    print(jax.jit(kernel)(*tuple(_d.values())))

</pallas_src>

<mosaic_0001>
module attributes {stable_mosaic.version = 14 : i64} {
  func.func @_body(%arg0: i32, %arg1: i32, %arg2: i32, %arg3: memref<1x1024x8x128xf32, #tpu.memory_space<vmem>>, %arg4: memref<4x8x128x256xf32, #tpu.memory_space<vmem>>, %arg5: memref<1x256x256xf32, #tpu.memory_space<vmem>>) attributes {dimension_semantics = [#tpu.dimension_semantics<arbitrary>, #tpu.dimension_semantics<arbitrary>, #tpu.dimension_semantics<arbitrary>], iteration_bounds = array<i64: 8, 3, 3>, scalar_prefetch = 0 : i64, scratch_operands = 0 : i64, tpu.core_type = #tpu.core_type<tc>, window_params = [{transform_indices = @transform_0, window_bounds = array<i64: 1, 1024, 8, 128>}, {pipeline_mode = #tpu.pipeline_mode<synchronous>, transform_indices = @transform_1, window_bounds = array<i64: 4, 8, 128, 256>}, {transform_indices = @transform_2, window_bounds = array<i64: 1, 256, 256>}]} {
    %get3A = arith.constant 0 : index
    %get3A_0 = arith.constant 0 : index
    %get3A_1 = arith.constant 0 : index
    %get3A_2 = arith.constant 0 : index
    %get3A_3 = tpu.strided_load %arg3[%get3A, %get3A_0, %get3A_1, %get3A_2] {strides = array<i32: 1, 2, 1, 1>} : memref<1x1024x8x128xf32, #tpu.memory_space<vmem>>, vector<1x512x8x128xf32>
    %get3A_4 = vector.shape_cast %get3A_3 : vector<1x512x8x128xf32> to vector<512x8x128xf32>
    %reshape3A = vector.shape_cast %get3A_4 : vector<512x8x128xf32> to vector<16x2x16x8x128xf32>
    %slice3A = vector.extract_strided_slice %reshape3A {offsets = [0, 0, 0, 0, 0], sizes = [16, 1, 16, 8, 128], strides = [1, 1, 1, 1, 1]} : vector<16x2x16x8x128xf32> to vector<16x1x16x8x128xf32>
    %squeeze3A = vector.shape_cast %slice3A : vector<16x1x16x8x128xf32> to vector<16x16x8x128xf32>
    %reshape3A_5 = vector.shape_cast %squeeze3A : vector<16x16x8x128xf32> to vector<256x8x128xf32>
    %transpose3A = tpu.transpose %reshape3A_5, [1, 0, 2] : vector<256x8x128xf32> -> vector<8x256x128xf32>
    %get3A_6 = arith.constant 0 : index
    %get3A_7 = arith.constant 0 : index
    %get3A_8 = arith.constant 0 : index
    %get3A_9 = arith.constant 0 : index
    %get3A_10 = vector.load %arg4[%get3A_6, %get3A_7, %get3A_8, %get3A_9] : memref<4x8x128x256xf32, #tpu.memory_space<vmem>>, vector<1x8x128x256xf32>
    %get3A_11 = vector.shape_cast %get3A_10 : vector<1x8x128x256xf32> to vector<8x128x256xf32>
    %dot_general3A = arith.constant dense<0.000000e+00> : vector<8x256x256xf32>
    %dot_general3A_12 = tpu.matmul %transpose3A, %get3A_11, %dot_general3A {dimension_numbers = #tpu.dot_dimension_numbers<[2], [1], [1], [2], [0, 0, 0, 1, 1, 2], [0], [0]>, transpose_lhs_hint = false} : vector<8x256x128xf32>, vector<8x128x256xf32>, vector<8x256x256xf32> -> vector<8x256x256xf32>
    %reduce_sum3A = arith.constant dense<0.000000e+00> : vector<256x256xf32>
    %reduce_sum3A_13 = vector.multi_reduction <add>, %dot_general3A_12, %reduce_sum3A [0] : vector<8x256x256xf32> to vector<256x256xf32>
    %get3A_14 = arith.constant 0 : index
    %get3A_15 = arith.constant 0 : index
    %get3A_16 = arith.constant 0 : index
    %get3A_17 = arith.constant 0 : index
    %get3A_18 = tpu.strided_load %arg3[%get3A_14, %get3A_15, %get3A_16, %get3A_17] {strides = array<i32: 1, 2, 1, 1>} : memref<1x1024x8x128xf32, #tpu.memory_space<vmem>>, vector<1x512x8x128xf32>
    %get3A_19 = vector.shape_cast %get3A_18 : vector<1x512x8x128xf32> to vector<512x8x128xf32>
    %reshape3A_20 = vector.shape_cast %get3A_19 : vector<512x8x128xf32> to vector<16x2x16x8x128xf32>
    %slice3A_21 = vector.extract_strided_slice %reshape3A_20 {offsets = [0, 1, 0, 0, 0], sizes = [16, 1, 16, 8, 128], strides = [1, 1, 1, 1, 1]} : vector<16x2x16x8x128xf32> to vector<16x1x16x8x128xf32>
    %squeeze3A_22 = vector.shape_cast %slice3A_21 : vector<16x1x16x8x128xf32> to vector<16x16x8x128xf32>
    %reshape3A_23 = vector.shape_cast %squeeze3A_22 : vector<16x16x8x128xf32> to vector<256x8x128xf32>
    %transpose3A_24 = tpu.transpose %reshape3A_23, [1, 0, 2] : vector<256x8x128xf32> -> vector<8x256x128xf32>
    %get3A_25 = arith.constant 1 : index
    %get3A_26 = arith.constant 0 : index
    %get3A_27 = arith.constant 0 : index
    %get3A_28 = arith.constant 0 : index
    %get3A_29 = vector.load %arg4[%get3A_25, %get3A_26, %get3A_27, %get3A_28] : memref<4x8x128x256xf32, #tpu.memory_space<vmem>>, vector<1x8x128x256xf32>
    %get3A_30 = vector.shape_cast %get3A_29 : vector<1x8x128x256xf32> to vector<8x128x256xf32>
    %dot_general3A_31 = arith.constant dense<0.000000e+00> : vector<8x256x256xf32>
    %dot_general3A_32 = tpu.matmul %transpose3A_24, %get3A_30, %dot_general3A_31 {dimension_numbers = #tpu.dot_dimension_numbers<[2], [1], [1], [2], [0, 0, 0, 1, 1, 2], [0], [0]>, transpose_lhs_hint = false} : vector<8x256x128xf32>, vector<8x128x256xf32>, vector<8x256x256xf32> -> vector<8x256x256xf32>
    %reduce_sum3A_33 = arith.constant dense<0.000000e+00> : vector<256x256xf32>
    %reduce_sum3A_34 = vector.multi_reduction <add>, %dot_general3A_32, %reduce_sum3A_33 [0] : vector<8x256x256xf32> to vector<256x256xf32>
    %get3A_35 = arith.constant 0 : index
    %get3A_36 = arith.constant 1 : index
    %get3A_37 = arith.constant 0 : index
    %get3A_38 = arith.constant 0 : index
    %get3A_39 = tpu.strided_load %arg3[%get3A_35, %get3A_36, %get3A_37, %get3A_38] {strides = array<i32: 1, 2, 1, 1>} : memref<1x1024x8x128xf32, #tpu.memory_space<vmem>>, vector<1x512x8x128xf32>
    %get3A_40 = vector.shape_cast %get3A_39 : vector<1x512x8x128xf32> to vector<512x8x128xf32>
    %reshape3A_41 = vector.shape_cast %get3A_40 : vector<512x8x128xf32> to vector<16x2x16x8x128xf32>
    %slice3A_42 = vector.extract_strided_slice %reshape3A_41 {offsets = [0, 0, 0, 0, 0], sizes = [16, 1, 16, 8, 128], strides = [1, 1, 1, 1, 1]} : vector<16x2x16x8x128xf32> to vector<16x1x16x8x128xf32>
    %squeeze3A_43 = vector.shape_cast %slice3A_42 : vector<16x1x16x8x128xf32> to vector<16x16x8x128xf32>
    %reshape3A_44 = vector.shape_cast %squeeze3A_43 : vector<16x16x8x128xf32> to vector<256x8x128xf32>
    %transpose3A_45 = tpu.transpose %reshape3A_44, [1, 0, 2] : vector<256x8x128xf32> -> vector<8x256x128xf32>
    %get3A_46 = arith.constant 2 : index
    %get3A_47 = arith.constant 0 : index
    %get3A_48 = arith.constant 0 : index
    %get3A_49 = arith.constant 0 : index
    %get3A_50 = vector.load %arg4[%get3A_46, %get3A_47, %get3A_48, %get3A_49] : memref<4x8x128x256xf32, #tpu.memory_space<vmem>>, vector<1x8x128x256xf32>
    %get3A_51 = vector.shape_cast %get3A_50 : vector<1x8x128x256xf32> to vector<8x128x256xf32>
    %dot_general3A_52 = arith.constant dense<0.000000e+00> : vector<8x256x256xf32>
    %dot_general3A_53 = tpu.matmul %transpose3A_45, %get3A_51, %dot_general3A_52 {dimension_numbers = #tpu.dot_dimension_numbers<[2], [1], [1], [2], [0, 0, 0, 1, 1, 2], [0], [0]>, transpose_lhs_hint = false} : vector<8x256x128xf32>, vector<8x128x256xf32>, vector<8x256x256xf32> -> vector<8x256x256xf32>
    %reduce_sum3A_54 = arith.constant dense<0.000000e+00> : vector<256x256xf32>
    %reduce_sum3A_55 = vector.multi_reduction <add>, %dot_general3A_53, %reduce_sum3A_54 [0] : vector<8x256x256xf32> to vector<256x256xf32>
    %get3A_56 = arith.constant 0 : index
    %get3A_57 = arith.constant 1 : index
    %get3A_58 = arith.constant 0 : index
    %get3A_59 = arith.constant 0 : index
    %get3A_60 = tpu.strided_load %arg3[%get3A_56, %get3A_57, %get3A_58, %get3A_59] {strides = array<i32: 1, 2, 1, 1>} : memref<1x1024x8x128xf32, #tpu.memory_space<vmem>>, vector<1x512x8x128xf32>
    %get3A_61 = vector.shape_cast %get3A_60 : vector<1x512x8x128xf32> to vector<512x8x128xf32>
    %reshape3A_62 = vector.shape_cast %get3A_61 : vector<512x8x128xf32> to vector<16x2x16x8x128xf32>
    %slice3A_63 = vector.extract_strided_slice %reshape3A_62 {offsets = [0, 1, 0, 0, 0], sizes = [16, 1, 16, 8, 128], strides = [1, 1, 1, 1, 1]} : vector<16x2x16x8x128xf32> to vector<16x1x16x8x128xf32>
    %squeeze3A_64 = vector.shape_cast %slice3A_63 : vector<16x1x16x8x128xf32> to vector<16x16x8x128xf32>
    %reshape3A_65 = vector.shape_cast %squeeze3A_64 : vector<16x16x8x128xf32> to vector<256x8x128xf32>
    %transpose3A_66 = tpu.transpose %reshape3A_65, [1, 0, 2] : vector<256x8x128xf32> -> vector<8x256x128xf32>
    %get3A_67 = arith.constant 3 : index
    %get3A_68 = arith.constant 0 : index
    %get3A_69 = arith.constant 0 : index
    %get3A_70 = arith.constant 0 : index
    %get3A_71 = vector.load %arg4[%get3A_67, %get3A_68, %get3A_69, %get3A_70] : memref<4x8x128x256xf32, #tpu.memory_space<vmem>>, vector<1x8x128x256xf32>
    %get3A_72 = vector.shape_cast %get3A_71 : vector<1x8x128x256xf32> to vector<8x128x256xf32>
    %dot_general3A_73 = arith.constant dense<0.000000e+00> : vector<8x256x256xf32>
    %dot_general3A_74 = tpu.matmul %transpose3A_66, %get3A_72, %dot_general3A_73 {dimension_numbers = #tpu.dot_dimension_numbers<[2], [1], [1], [2], [0, 0, 0, 1, 1, 2], [0], [0]>, transpose_lhs_hint = false} : vector<8x256x128xf32>, vector<8x128x256xf32>, vector<8x256x256xf32> -> vector<8x256x256xf32>
    %reduce_sum3A_75 = arith.constant dense<0.000000e+00> : vector<256x256xf32>
    %reduce_sum3A_76 = vector.multi_reduction <add>, %dot_general3A_74, %reduce_sum3A_75 [0] : vector<8x256x256xf32> to vector<256x256xf32>
    %iota3A = tpu.iota {dimensions = array<i32: 0>} : vector<256x256xi32>
    %iota3A_77 = tpu.iota {dimensions = array<i32: 1>} : vector<256x256xi32>
    %jit3A = arith.constant 16 : i32
    %div3A = vector.broadcast %jit3A : i32 to vector<256x256xi32>
    %div3A_78 = arith.divsi %iota3A, %div3A : vector<256x256xi32>
    %sign3A = arith.constant 0 : i32
    %sign3A_79 = vector.broadcast %sign3A : i32 to vector<256x256xi32>
    %sign3A_80 = arith.cmpi sgt, %iota3A, %sign3A_79 : vector<256x256xi32>
    %sign3A_81 = arith.extui %sign3A_80 : vector<256x256xi1> to vector<256x256xi32>
    %sign3A_82 = arith.constant 0 : i32
    %sign3A_83 = vector.broadcast %sign3A_82 : i32 to vector<256x256xi32>
    %sign3A_84 = arith.cmpi slt, %iota3A, %sign3A_83 : vector<256x256xi32>
    %sign3A_85 = arith.extui %sign3A_84 : vector<256x256xi1> to vector<256x256xi32>
    %sign3A_86 = arith.subi %sign3A_81, %sign3A_85 : vector<256x256xi32>
    %sign3A_87 = arith.constant 0 : i32
    %sign3A_88 = arith.cmpi sgt, %jit3A, %sign3A_87 : i32
    %sign3A_89 = arith.extui %sign3A_88 : i1 to i32
    %sign3A_90 = arith.constant 0 : i32
    %sign3A_91 = arith.cmpi slt, %jit3A, %sign3A_90 : i32
    %sign3A_92 = arith.extui %sign3A_91 : i1 to i32
    %sign3A_93 = arith.subi %sign3A_89, %sign3A_92 : i32
    %ne3A = vector.broadcast %sign3A_93 : i32 to vector<256x256xi32>
    %ne3A_94 = arith.cmpi ne, %sign3A_86, %ne3A : vector<256x256xi32>
    %rem3A = vector.broadcast %jit3A : i32 to vector<256x256xi32>
    %rem3A_95 = arith.remsi %iota3A, %rem3A : vector<256x256xi32>
    %ne3A_96 = arith.constant 0 : i32
    %ne3A_97 = vector.broadcast %ne3A_96 : i32 to vector<256x256xi32>
    %ne3A_98 = arith.cmpi ne, %rem3A_95, %ne3A_97 : vector<256x256xi32>
    %and3A = arith.andi %ne3A_94, %ne3A_98 : vector<256x256xi1>
    %sub3A = arith.constant 1 : i32
    %sub3A_99 = vector.broadcast %sub3A : i32 to vector<256x256xi32>
    %sub3A_100 = arith.subi %div3A_78, %sub3A_99 : vector<256x256xi32>
    %select_n3A = arith.select %and3A, %sub3A_100, %div3A_78 : vector<256x256xi1>, vector<256x256xi32>
    %jit3A_101 = arith.constant 16 : i32
    %div3A_102 = vector.broadcast %jit3A_101 : i32 to vector<256x256xi32>
    %div3A_103 = arith.divsi %iota3A_77, %div3A_102 : vector<256x256xi32>
    %sign3A_104 = arith.constant 0 : i32
    %sign3A_105 = vector.broadcast %sign3A_104 : i32 to vector<256x256xi32>
    %sign3A_106 = arith.cmpi sgt, %iota3A_77, %sign3A_105 : vector<256x256xi32>
    %sign3A_107 = arith.extui %sign3A_106 : vector<256x256xi1> to vector<256x256xi32>
    %sign3A_108 = arith.constant 0 : i32
    %sign3A_109 = vector.broadcast %sign3A_108 : i32 to vector<256x256xi32>
    %sign3A_110 = arith.cmpi slt, %iota3A_77, %sign3A_109 : vector<256x256xi32>
    %sign3A_111 = arith.extui %sign3A_110 : vector<256x256xi1> to vector<256x256xi32>
    %sign3A_112 = arith.subi %sign3A_107, %sign3A_111 : vector<256x256xi32>
    %sign3A_113 = arith.constant 0 : i32
    %sign3A_114 = arith.cmpi sgt, %jit3A_101, %sign3A_113 : i32
    %sign3A_115 = arith.extui %sign3A_114 : i1 to i32
    %sign3A_116 = arith.constant 0 : i32
    %sign3A_117 = arith.cmpi slt, %jit3A_101, %sign3A_116 : i32
    %sign3A_118 = arith.extui %sign3A_117 : i1 to i32
    %sign3A_119 = arith.subi %sign3A_115, %sign3A_118 : i32
    %ne3A_120 = vector.broadcast %sign3A_119 : i32 to vector<256x256xi32>
    %ne3A_121 = arith.cmpi ne, %sign3A_112, %ne3A_120 : vector<256x256xi32>
    %rem3A_122 = vector.broadcast %jit3A_101 : i32 to vector<256x256xi32>
    %rem3A_123 = arith.remsi %iota3A_77, %rem3A_122 : vector<256x256xi32>
    %ne3A_124 = arith.constant 0 : i32
    %ne3A_125 = vector.broadcast %ne3A_124 : i32 to vector<256x256xi32>
    %ne3A_126 = arith.cmpi ne, %rem3A_123, %ne3A_125 : vector<256x256xi32>
    %and3A_127 = arith.andi %ne3A_121, %ne3A_126 : vector<256x256xi1>
    %sub3A_128 = arith.constant 1 : i32
    %sub3A_129 = vector.broadcast %sub3A_128 : i32 to vector<256x256xi32>
    %sub3A_130 = arith.subi %div3A_103, %sub3A_129 : vector<256x256xi32>
    %select_n3A_131 = arith.select %and3A_127, %sub3A_130, %div3A_103 : vector<256x256xi1>, vector<256x256xi32>
    %eq3A = arith.cmpi eq, %select_n3A, %select_n3A_131 : vector<256x256xi32>
    %jit3A_132 = arith.constant 16 : i32
    %eq3A_133 = arith.constant 0 : i32
    %eq3A_134 = arith.cmpi eq, %jit3A_132, %eq3A_133 : i32
    %jit3A_135 = arith.constant 1 : i32
    %select_n3A_136 = arith.select %eq3A_134, %jit3A_135, %jit3A_132 : i32
    %rem3A_137 = vector.broadcast %select_n3A_136 : i32 to vector<256x256xi32>
    %rem3A_138 = arith.remsi %iota3A, %rem3A_137 : vector<256x256xi32>
    %ne3A_139 = arith.constant 0 : i32
    %ne3A_140 = vector.broadcast %ne3A_139 : i32 to vector<256x256xi32>
    %ne3A_141 = arith.cmpi ne, %rem3A_138, %ne3A_140 : vector<256x256xi32>
    %lt3A = arith.constant 0 : i32
    %lt3A_142 = vector.broadcast %lt3A : i32 to vector<256x256xi32>
    %lt3A_143 = arith.cmpi slt, %rem3A_138, %lt3A_142 : vector<256x256xi32>
    %lt3A_144 = arith.constant 0 : i32
    %lt3A_145 = arith.cmpi slt, %select_n3A_136, %lt3A_144 : i32
    %ne3A_146 = vector.broadcast %lt3A_145 : i1 to vector<256x256xi1>
    %ne3A_147 = vector.broadcast %ne3A_146 : vector<256x256xi1> to vector<256x256xi1>
    %ne3A_148 = arith.xori %lt3A_143, %ne3A_147 : vector<256x256xi1>
    %and3A_149 = arith.andi %ne3A_148, %ne3A_141 : vector<256x256xi1>
    %add3A = vector.broadcast %select_n3A_136 : i32 to vector<256x256xi32>
    %add3A_150 = arith.addi %rem3A_138, %add3A : vector<256x256xi32>
    %select_n3A_151 = arith.select %and3A_149, %add3A_150, %rem3A_138 : vector<256x256xi1>, vector<256x256xi32>
    %jit3A_152 = arith.constant 16 : i32
    %eq3A_153 = arith.constant 0 : i32
    %eq3A_154 = arith.cmpi eq, %jit3A_152, %eq3A_153 : i32
    %jit3A_155 = arith.constant 1 : i32
    %select_n3A_156 = arith.select %eq3A_154, %jit3A_155, %jit3A_152 : i32
    %rem3A_157 = vector.broadcast %select_n3A_156 : i32 to vector<256x256xi32>
    %rem3A_158 = arith.remsi %iota3A_77, %rem3A_157 : vector<256x256xi32>
    %ne3A_159 = arith.constant 0 : i32
    %ne3A_160 = vector.broadcast %ne3A_159 : i32 to vector<256x256xi32>
    %ne3A_161 = arith.cmpi ne, %rem3A_158, %ne3A_160 : vector<256x256xi32>
    %lt3A_162 = arith.constant 0 : i32
    %lt3A_163 = vector.broadcast %lt3A_162 : i32 to vector<256x256xi32>
    %lt3A_164 = arith.cmpi slt, %rem3A_158, %lt3A_163 : vector<256x256xi32>
    %lt3A_165 = arith.constant 0 : i32
    %lt3A_166 = arith.cmpi slt, %select_n3A_156, %lt3A_165 : i32
    %ne3A_167 = vector.broadcast %lt3A_166 : i1 to vector<256x256xi1>
    %ne3A_168 = vector.broadcast %ne3A_167 : vector<256x256xi1> to vector<256x256xi1>
    %ne3A_169 = arith.xori %lt3A_164, %ne3A_168 : vector<256x256xi1>
    %and3A_170 = arith.andi %ne3A_169, %ne3A_161 : vector<256x256xi1>
    %add3A_171 = vector.broadcast %select_n3A_156 : i32 to vector<256x256xi32>
    %add3A_172 = arith.addi %rem3A_158, %add3A_171 : vector<256x256xi32>
    %select_n3A_173 = arith.select %and3A_170, %add3A_172, %rem3A_158 : vector<256x256xi1>, vector<256x256xi32>
    %eq3A_174 = arith.cmpi eq, %select_n3A_151, %select_n3A_173 : vector<256x256xi32>
    %jit3A_175 = arith.constant 0.000000e+00 : f32
    %broadcast_in_dim3A = vector.broadcast %jit3A_175 : f32 to vector<256x256xf32>
    %select_n3A_176 = arith.select %eq3A, %reduce_sum3A_34, %broadcast_in_dim3A : vector<256x256xi1>, vector<256x256xf32>
    %add3A_177 = arith.addf %reduce_sum3A_13, %select_n3A_176 : vector<256x256xf32>
    %jit3A_178 = arith.constant 0.000000e+00 : f32
    %broadcast_in_dim3A_179 = vector.broadcast %jit3A_178 : f32 to vector<256x256xf32>
    %select_n3A_180 = arith.select %eq3A_174, %reduce_sum3A_55, %broadcast_in_dim3A_179 : vector<256x256xi1>, vector<256x256xf32>
    %add3A_181 = arith.addf %add3A_177, %select_n3A_180 : vector<256x256xf32>
    %and3A_182 = arith.andi %eq3A, %eq3A_174 : vector<256x256xi1>
    %jit3A_183 = arith.constant 0.000000e+00 : f32
    %broadcast_in_dim3A_184 = vector.broadcast %jit3A_183 : f32 to vector<256x256xf32>
    %select_n3A_185 = arith.select %and3A_182, %reduce_sum3A_76, %broadcast_in_dim3A_184 : vector<256x256xi1>, vector<256x256xf32>
    %add3A_186 = arith.addf %add3A_181, %select_n3A_185 : vector<256x256xf32>
    %swap3A = arith.constant 0 : index
    %swap3A_187 = arith.constant 0 : index
    %swap3A_188 = arith.constant 0 : index
    %swap3A_189 = vector.load %arg5[%swap3A, %swap3A_187, %swap3A_188] : memref<1x256x256xf32, #tpu.memory_space<vmem>>, vector<1x256x256xf32>
    %swap3A_190 = vector.shape_cast %swap3A_189 : vector<1x256x256xf32> to vector<256x256xf32>
    %swap3A_191 = vector.shape_cast %add3A_186 : vector<256x256xf32> to vector<1x256x256xf32>
    tpu.vector_store %arg5[%swap3A, %swap3A_187, %swap3A_188], %swap3A_191 {strides = array<i32>} : memref<1x256x256xf32, #tpu.memory_space<vmem>>, vector<1x256x256xf32>,
    return
  }
  func.func @transform_0(%arg0: i32, %arg1: i32, %arg2: i32) -> (i32, i32, i32, i32) {
    %c0_i32 = arith.constant 0 : i32
    %c0_i32_0 = arith.constant 0 : i32
    return %arg0, %arg1, %arg2, %c0_i32 : i32, i32, i32, i32
  }
  func.func @transform_1(%arg0: i32, %arg1: i32, %arg2: i32) -> (i32, i32, i32, i32) {
    %c0_i32 = arith.constant 0 : i32
    %c0_i32_0 = arith.constant 0 : i32
    %c0_i32_1 = arith.constant 0 : i32
    %c0_i32_2 = arith.constant 0 : i32
    %c0_i32_3 = arith.constant 0 : i32
    return %c0_i32, %c0_i32_0, %c0_i32_1, %c0_i32_2 : i32, i32, i32, i32
  }
  func.func @transform_2(%arg0: i32, %arg1: i32, %arg2: i32) -> (i32, i32, i32) {
    %c0_i32 = arith.constant 0 : i32
    return %arg0, %arg1, %arg2 : i32, i32, i32
  }
}

</mosaic_0001>

<sc_bundles>
// kernel: sparse-core-data-format-call.cloned.1.call-start
scs
called_computation_lowered:
.L_overlay_start_0:
0x0: {  	s2 =	sld [smem:$0x3FD9]  }
0x1: {  	s3 =	sld [smem:$0x3FFE];
	_ =	sdelay $0x1  }
0x2: {  	s1 =	srdreg.scid  }
0x3: {  	s0 =	sand.u32 $0x1, s1  }
0x4: {  	s18 =	sshll.u32 s0, $0xA;
	s2 =	sadd.s32 s3, s2  }
0x5: {  	s2 =	sadd.s32 s2, s18  }
0x6: {  	[smem:$0x3FC7] =	sst s2  }
0x7: {  	_ = 	snop  }
0x8: {  	s2 =	sld [smem:$0x3FC9];
	(tm) =	ssettm $0x1  }
0x9: {  	s19 =	sld [smem:$0x3FFB];
	_ =	sdelay $0x3  }
0xa: {  	_ =	strace s19  }
0xb: {  	s3 =	sld [smem:$0x3FFC];
	_ =	sdelay $0x3  }
0xc: {  	_ =	strace s3  }
0xd: {  	s3 =	sld [smem:$0x3FFD];
	_ =	sdelay $0x3  }
0xe: {  	_ =	strace s3  }
0xf: {  	_ =	strace $0x8FFFFFFF  }
0x10: {  	s20 =	sld [smem:$0x3FDB];
	_ =	sdelay $0x1  }
0x11: {  	s4 =	simm.s32 $_scs_section_size  }
0x12: {  	s5 =	simm.s32 $_size__tile_overlayer_lowered;
	s6 =	simm.s32 $_tile_overlayer_lowered  }
0x13: {  	s23 =	simm.s32 $0x1BFF;
	s22 =	sshll.u32 s6, $0x1;
	s3 =	sadd.s32 s4, s20  }
0x14: {  	s7 =	simm.s32 $0x0;
	s21 =	sshll.u32 s5, $0x1;
	s5 =	sadd.s32 s22, s3  }
0x15: {  	[timem:s7], [sflag:s23] =	dma.local [hbm:s5], s21  }
0x16: {  	_ =	swait.ge [sflag:s23], s21  }
0x17: {  	s4 =	ssub.s32 $0x0, s21;
	[sflag:s23] =	ssyncset.done $0x0  }
0x18: {  	[sflag:s23] =	ssyncadd.s32 s4;
	_ =	sdelay $0x1  }
0x19: {  	s24 =	simm.s32 $0x1B8B  }
0x1a: {  	_ =	swait.ge [sflag:s24], $0x1  }
0x1b: {  	[sflag:s24] =	ssyncset.done $0x0  }
0x1c: {  	s26 =	simm.s32 $0x1B8E;
	s25 =	sld [smem:$0x3FFE];
	[sflag:s24] =	ssyncadd.s32 $0xFFFFFFFF  }
0x1d: {  	s27 =	simm.s32 $execute0_lowered;
	[smem:$0x3FD2] =	sst s26  }
0x1e: {  	s5 =	sshll.u32 s27, $0x1;
	_ =	strace $0x80000046;
	[dreg:$0x1] =	wrdreg $0xFFFFFFFF  }
0x1f: {  	s28 =	simm.s32 $_size_execute0_lowered;
	s3 =	sadd.s32 s3, s5;
	[dreg:$0x0] =	wrdreg $0x0  }
0x20: {  	s5 =	sshll.u32 s28, $0x1;
	[dreg:$0x2] =	wrdreg s3  }
0x21: {  	[dreg:$0x3] =	wrdreg s5  }
0x22: {  	[dreg:$0x4] =	wrdreg $0xC0  }
0x23: {  	_ =	task [dreg:s7], $0x5FFFF  }
0x24: {  	[dreg:$0x1] =	wrdreg $0xFFFFFFFF  }
0x25: {  	[dreg:$0x0] =	wrdreg $0x60  }
0x26: {  	[dreg:$0x2] =	wrdreg s2  }
0x27: {  	[dreg:$0x3] =	wrdreg s25  }
0x28: {  	[dreg:$0x4] =	wrdreg $0x9  }
0x29: {  	_ =	task.clear_ibuf [dreg:s7], $0x5FFFF;
	_ =	strace $0x90000046  }
0x2a: {  	s29 =	simm.s32 $0x9;
	_ =	strace $0x80000048  }
0x2b: {  	_ =	swait.ge [sflag:s29], $0x1  }
0x2c: {  	[sflag:s29] =	ssyncadd.s32 $0xFFFFFFFF  }
0x2d: {  	_ =	strace $0x90000048  }
0x2e: {  	_ =	sfence  }
0x2f: {  	s30 =	sld [smem:$0x0];
	_ =	sdelay $0x2  }
0x30: {  	s31 =	sshll.u32 s1, $0xD;
	s1 =	sshrl.u32 s1, $0x2  }
0x31: {  	s3 =	sand.u32 $0x4000, s31;
	s1 =	sadd.s32 s1, s30  }
0x32: {  	s0 =	sor.u32 s3, s0;
	s1 =	sshll.u32 s1, $0x11  }
0x33: {  	s0 =	sor.u32 s1, s0  }
0x34: {  	s0 =	sadd.s32 $0x8F2B, s0  }
0x35: {  	[sflag:s0] =	ssyncadd.remote.s32 $0x1  }
0x36: {  	_ =	sfence.sel $0xFFFF  }
0x37: {  	[dreg:$0x0] =	wrdreg $0xFFFFFFFF;
	(pc) =	sbr.abs _section_cstart, $3  }
0x38: {  	[dreg:$0x1] =	wrdreg $0xFFFFFFFF  }
0x39: {  	_ =	task.clear_ibuf [dreg:s7], $0x2FFFF;
	_ =	strace $0x9FFFFFFF  }
0x3a: {  	(tm) =	ssettm $0x7FFFFFFF  }
0x3b: {  	_ =	shalt  }
tec
execute0_lowered:
.L_overlay_start_1:
0x0: {  	(tag) =	ssettag $0x1  }
0x1: {  	s0 =	srdreg.scid  }
0x2: {  	s1 =	sshll.u32 s0, $0x4  }
0x3: {  	s0 =	stileid.u32;
	s1 =	sand.u32 $0x10, s1  }
0x4: {  	s3 =	rddreg [dreg:$0x0];
	s1 =	sor.u32 s0, s1  }
0x5: {  	s6 =	rddreg [dreg:$0x1];
	s7 =	simm.s32 $0x2;
	s2 =	sshll.u32 s1, $0x1  }
0x6: {  	s14 =	simm.s32 $0x0;
	s8 =	simm.s32 $0x400;
	s1 =	ssub.s32 $0xC00, s2  }
0x7: {  	s9 =	simm.s32 $0xC00;
	s10 =	simm.s32 $0x0;
	s4 =	sand.u32 $0x3E, s1  }
0x8: {  	s15 =	simm.s32 $0x0;
	p0 =	sne.s32 s4, $0x0;
	s4 =	simm.s32 $0x1  }
.Ltmp0:
0x9: {  	s5 =	sshrl.u32 s1, $0x6;
	s4 =	simm.s32 @!p0 $0x0;
	(pc) =	sbr.rel .LBB1_1-.Ltmp0, $4  }
0xa: {  	s11 =	simm.s32 $0x0;
	s1 =	rddreg [dreg:$0x2];
	s5 =	sadd.s32 s4, s5  }
0xb: {  	_ =	strace $0x80000047;
	s4 =	simm.s32 $0x1;
	s5 =	smul.u32 $0x3, s5  }
0xc: {  	s13 =	simm.s32 $0x0;
	s6 =	sadd.s32 $0x600, s6;
	[sflag:s4] =	ssyncpa.u1 $0x0  }
0xd: {  	s12 =	smov.u32 s2;
	[sflag:s7] =	ssyncpa.u1 $0x0;
	s7 =	sadd.s32 $0x1, s5  }
.LBB1_9:
0xe: {  	s16 =	sadd.s32 $0x8, s11  }
0xf: {  	s14 =	sadd.s32 $0x40, s12;
	s18 =	smov.u32 s12;
	p1 =	sgt.s32 s16, $0x17  }
0x10: {  	s18 =	smov.u32 @p1 s14  }
0x11: {  	s16 =	simm.s32 @p1 $0x0;
	p1 =	sgt.s32 s18, $0xBFF  }
0x12: {  	s18 =	smov.u32 @p1 s2;
	p1 =	sne.s32 s13, s7  }
.Ltmp1:
0x13: {  	p0 =	slt.u32 s13, $0x2;
	(pc) =	sbr.rel @!p1 .LBB1_10-.Ltmp1, $4  }
0x14: {  	s17 =	simm.s32 @!p0 $0x2  }
0x15: {  	s15 =	smov.u32 s12;
	s10 =	sadd.s32 $0x4000, s10;
	_ =	swait.ge @!p0 [sflag:s17], $0x4000  }
0x16: {  	s14 =	smov.u32 s11;
	[sflag:s17] =	ssyncset.done @!p0 $0x0;
	s11 =	smov.u32 s16  }
0x17: {  	s13 =	sadd.s32 $0x1, s13;
	[sflag:s17] =	ssyncadd.s32 @!p0 $0xFFFFC000;
	s12 =	smov.u32 s18  }
.LBB1_1:
0x18: {  	p0 =	sge.u32 s13, s5  }
0x19: {  	s17 =	smul.u32 @!p0 $0xC00, s12  }
0x1a: {  	s31 =	sadd.s32 $0xFFFFFFFF, s13;
	s16 =	sxor.u32 @!p0 $0xFFFFFFFF, s13;
	s18 =	sshll.u32 @!p0 s11, $0x7  }
0x1b: {  	s19 =	simm.s32 @!p0 $0x6000;
	s16 =	sshll.u32 @!p0 s16, $0xE;
	s17 =	sadd.s32 @!p0 s3, s17  }
0x1c: {  	s16 =	sand.u32 @!p0 $0x4000, s16;
	s17 =	sadd.s32 @!p0 s18, s17;
	s18 =	simm.s32 @!p0 $0x2000  }
0x1d: {  	[tilespmem:s16], [sflag:$0x1] =	stream.strided.gather @!p0 [hbm4b:s17+s18], $0x4000, s19, s18, $0x38;
	[tilespmem:$0x10000] =	vst v63  }
0x1e: {  	p0 =	sge.u32 s31, s5  }
.Ltmp2:
0x1f: {  	_ = 	snop;
	(pc) =	sbr.rel @p0 .LBB1_9-.Ltmp2, $1  }
0x20: {  	_ =	sdelay $0x3  }
0x21: {  	s16 =	sshll.u32 s10, $0x2  }
0x22: {  	_ =	swait.ge [sflag:s4], $0x4000;
	s17 =	sshll.u32 s13, $0xE;
	s19 =	simm.s32 $0x0  }
0x23: {  	p1 =	por $0x1, $0x1;
	s16 =	sand.u32 $0x10000, s16;
	[sflag:s4] =	ssyncset.done $0x0  }
0x24: {  	s17 =	sand.u32 $0x4000, s17;
	s18 =	sshrl.u32 s16, $0x2;
	[sflag:s4] =	ssyncadd.s32 $0xFFFFC000  }
0x25: {  	s16 =	sor.u32 $0x8000, s17;
	s17 =	sadd.s32 $0x8040, s18;
	s18 =	sadd.s32 $0x40, s18  }
.LBB1_3:
0x26: {  	s19 =	sshll.u32 s19, $0x2  }
0x27: {  	p0 =	por p1, p1;
	s20 =	sshra.s32 s19, $0x2  }
0x28: {  	s21 =	simm.s32 $0x0;
	s19 =	sadd.s32 s20, s17;
	s20 =	sadd.s32 s20, s18  }
.LBB1_4:
0x29: {  	v0 =	vmov s20;
	_ =	sdelay $0x3  }
0x2a: {  	s23 =	simm.s32 $0x0  }
0x2b: {  	v6 =	vld.idx.msk [tilespmem:v0+s23+$0x30 ss:$0x1], $0xffff  }
0x2c: {  	v7 =	vld.idx.msk [tilespmem:v0+s23+$0xFFFFFFC0 ss:$0x1], $0xffff  }
0x2d: {  	v5 =	vld.idx.msk [tilespmem:v0+s23+$0xFFFFFFD0 ss:$0x1], $0xffff  }
0x2e: {  	v4 =	vld.idx.msk [tilespmem:v0+s23+$0xFFFFFFE0 ss:$0x1], $0xffff  }
0x2f: {  	v3 =	vld.idx.msk [tilespmem:v0+s23+$0xFFFFFFF0 ss:$0x1], $0xffff  }
0x30: {  	v1 =	vld.idx.msk [tilespmem:v0+s23+$0x0 ss:$0x1], $0xffff  }
0x31: {  	v2 =	vld.idx.msk [tilespmem:v0+s23+$0x10 ss:$0x1], $0xffff;
	[tilespmem:s19+$0x30] =	vst v6  }
0x32: {  	s22 =	simm.s32 $0x80;
	s24 =	simm.s32 $0x400;
	[tilespmem:s19+$0xFFFFFFC0] =	vst v7;
	v6 =	vld.idx.msk [tilespmem:v0+s23+$0x20 ss:$0x1], $0xffff;
	s23 =	smov.u32 s19  }
.LBB1_5:
0x33: {  	p1 =	sne.s32 s24, $0xE00;
	v7 =	vld.idx.msk [tilespmem:v0+s22+$0x30 ss:$0x1], $0xffff;
	[tilespmem:s23+$0xFFFFFFD0] =	vst v5  }
0x34: {  	v8 =	vld.idx.msk [tilespmem:v0+s22+$0xFFFFFFC0 ss:$0x1], $0xffff;
	[tilespmem:s23+$0xFFFFFFE0] =	vst v4  }
0x35: {  	v5 =	vld.idx.msk [tilespmem:v0+s22+$0xFFFFFFD0 ss:$0x1], $0xffff;
	[tilespmem:s23+$0xFFFFFFF0] =	vst v3  }
.Ltmp3:
0x36: {  	v4 =	vld.idx.msk [tilespmem:v0+s22+$0xFFFFFFE0 ss:$0x1], $0xffff;
	[tilespmem:s23+$0x0] =	vst v1;
	(pc) =	sbr.rel @p1 .LBB1_5-.Ltmp3, $4  }
0x37: {  	v3 =	vld.idx.msk [tilespmem:v0+s22+$0xFFFFFFF0 ss:$0x1], $0xffff;
	[tilespmem:s23+$0x10] =	vst v2  }
0x38: {  	v1 =	vld.idx.msk [tilespmem:v0+s22+$0x0 ss:$0x1], $0xffff;
	[tilespmem:s23+$0x20] =	vst v6;
	s23 =	sadd.s32 $0x400, s23  }
0x39: {  	v2 =	vld.idx.msk [tilespmem:v0+s22+$0x10 ss:$0x1], $0xffff;
	[tilespmem:s23+$0x30] =	vst v7  }
0x3a: {  	[tilespmem:s23+$0xFFFFFFC0] =	vst v8;
	v6 =	vld.idx.msk [tilespmem:v0+s22+$0x20 ss:$0x1], $0xffff;
	s22 =	sshra.s32 s24, $0x2;
	s24 =	sadd.s32 $0x200, s24  }
0x3b: {  	_ =	sdelay $0x2  }
0x3c: {  	[tilespmem:s23+$0xFFFFFFD0] =	vst v5  }
0x3d: {  	v56 =	vld.idx.msk [tilespmem:v0+s22+$0x30 ss:$0x1], $0xffff;
	[tilespmem:s23+$0xFFFFFFE0] =	vst v4  }
0x3e: {  	v57 =	vld.idx.msk [tilespmem:v0+s22+$0xFFFFFFC0 ss:$0x1], $0xffff;
	[tilespmem:s23+$0xFFFFFFF0] =	vst v3  }
0x3f: {  	v58 =	vld.idx.msk [tilespmem:v0+s22+$0xFFFFFFD0 ss:$0x1], $0xffff;
	[tilespmem:s23+$0x0] =	vst v1  }
0x40: {  	v59 =	vld.idx.msk [tilespmem:v0+s22+$0xFFFFFFE0 ss:$0x1], $0xffff;
	[tilespmem:s23+$0x10] =	vst v2  }
0x41: {  	v60 =	vld.idx.msk [tilespmem:v0+s22+$0xFFFFFFF0 ss:$0x1], $0xffff;
	s31 =	sadd.s32 $0x400, s23;
	[tilespmem:s23+$0x20] =	vst v6  }
0x42: {  	v61 =	vld.idx.msk [tilespmem:v0+s22+$0x0 ss:$0x1], $0xffff;
	[tilespmem:s31+$0x30] =	vst v56  }
0x43: {  	v62 =	vld.idx.msk [tilespmem:v0+s22+$0x10 ss:$0x1], $0xffff;
	s21 =	sadd.s32 $0x1, s21;
	[tilespmem:s31+$0xFFFFFFC0] =	vst v57  }
0x44: {  	v63 =	vld.idx.msk [tilespmem:v0+s22+$0x20 ss:$0x1], $0xffff;
	p1 =	sne.s32 s21, $0x8;
	[tilespmem:s31+$0xFFFFFFD0] =	vst v58  }
.Ltmp4:
0x45: {  	[tilespmem:s31+$0xFFFFFFE0] =	vst v59;
	(pc) =	sbr.rel @p1 .LBB1_4-.Ltmp4, $4  }
0x46: {  	[tilespmem:s31+$0xFFFFFFF0] =	vst v60  }
0x47: {  	[tilespmem:s31+$0x0] =	vst v61  }
0x48: {  	[tilespmem:s31+$0x10] =	vst v62  }
0x49: {  	s19 =	sadd.s32 $0x80, s19;
	s20 =	sadd.s32 $0x400, s20;
	[tilespmem:s31+$0x20] =	vst v63  }
.Ltmp5:
0x4a: {  	(pc) =	sbr.rel @p0 .LBB1_3-.Ltmp5, $2  }
0x4b: {  	_ =	sdelay $0x2  }
0x4c: {  	s19 =	simm.s32 $0x2000;
	p1 =	por $0x0, $0x0  }
0x4d: {  	s14 =	sand.u32 $0x1FFFFFF, s14  }
0x4e: {  	s17 =	smulhi.u32 $0xAAAAAAB, s14  }
0x4f: {  	s15 =	smul.u32 $0xC00, s15  }
0x50: {  	s17 =	smul.u32 $0x18, s17  }
.Ltmp6:
0x51: {  	_ = 	snop;
	(pc) =	sbr.rel .LBB1_9-.Ltmp6, $4  }
0x52: {  	s14 =	ssub.s32 s14, s17  }
0x53: {  	s15 =	sadd.s32 s6, s15;
	s14 =	sshll.u32 s14, $0x4  }
0x54: {  	s14 =	sadd.s32 s14, s15  }
0x55: {  	[hbm4b:s14+s8] =	stream.strided.scatter [tilespmem:s16], [sflag:$0x2], $0x4000, s9, s8, $0x38;
	[tilespmem:$0x10000] =	vst v63  }
.LBB1_10:
0x56: {  	_ =	sfence.sel $0x180000  }
0x57: {  	s2 =	simm.s32 $0x1;
	[bflag:$0x0] =	sbarrier.arrive $0xFFFF  }
0x58: {  	s31 =	simm.s32 $0x2;
	[sflag:s2] =	ssyncpa.u1 $0x1  }
0x59: {  	[sflag:s31] =	ssyncpa.u1 $0x1  }
0x5a: {  	p0 =	sne.s32 s0, $0x0;
	_ =	strace $0x90000047  }
0x5b: {  	s0 =	sadd.s32 @!p0 $0x100000, s1;
	[bflag:$0x2] =	sbarrier.arrive $0xFFFF  }
0x5c: {  	[sflag:s0] =	ssyncadd.tile.s32 @!p0 $0x1;
	_ =	shalt  }
.Lfunc_end1:
_tile_overlayer_lowered:
.L_overlay_start_2:
0x5d: {  	(tag) =	ssettag $0x2  }
0x5e: {  	s0 =	rddreg [dreg:$0x0];
	s2 =	stileid.u32  }
0x5f: {  	s1 =	rddreg [dreg:$0x1];
	p0 =	sne.s32 s2, $0x0  }
0x60: {  	s3 =	rddreg [dreg:$0x2];
	[bflag:$0x3] =	sbarrier.arrive $0xFFFF;
	s2 =	simm.s32 @!p0 $0x1C01  }
0x61: {  	[timem:s3], [sflag:s2] =	dma.local @!p0 [hbm:s0], s1  }
0x62: {  	s0 =	simm.s32 @!p0 $0x1  }
0x63: {  	_ =	swait.ge @!p0 [sflag:s0], s1  }
0x64: {  	s1 =	ssub.s32 @!p0 $0x0, s1;
	[sflag:s0] =	ssyncset.done @!p0 $0x0  }
0x65: {  	[sflag:s0] =	ssyncadd.s32 @!p0 s1  }
0x66: {  	[bflag:$0x3] =	sbarrier.arrive $0xFFFF  }
0x67: {  	_ =	shalt  }

</sc_bundles>
